<compile_context>
chip_gen: v7x
topology: tpu7x:2x2x1
jax: 0.10.2.dev20260603
libtpu: 0.0.44.dev20260713+nightly
codegen_flags: <defaults>
</compile_context>

<pallas_src>
import functools

import jax
import jax.numpy as jnp
from jax import lax
from jax.experimental import pallas as pl
from jax.experimental.pallas import tpu as pltpu
from jax.experimental.pallas import tpu_sc as plsc

R = 128
N = 100000
TEMP_EPS = 1e-20

RB = 8
NRB = R // RB

L = 16
CHUNKS = N // L
NROWS2D = R * CHUNKS
NC, NS = 2, 16
CH_PER_W = NROWS2D // (NC * NS)
ZROWS = 5000
NDMA = CH_PER_W // ZROWS

OB = 512


def _argmax_body(l_ref, u_ref, idx_out):
    g = jnp.log(-jnp.log(u_ref[...] + TEMP_EPS) + TEMP_EPS)
    t = l_ref[...] + g
    cols = lax.broadcasted_iota(jnp.int32, t.shape, 1)
    t = jnp.where(cols < N, t, -jnp.inf)
    bmax = jnp.max(t, axis=1, keepdims=True)
    idx_out[...] = jnp.min(
        jnp.where(t == bmax, cols, jnp.int32(2**31 - 1)), axis=1, keepdims=True
    )


_argmax_call = pl.pallas_call(
    _argmax_body,
    out_shape=jax.ShapeDtypeStruct((R, 1), jnp.int32),
    grid=(NRB,),
    in_specs=[
        pl.BlockSpec((RB, N), lambda j: (j, 0)),
        pl.BlockSpec((RB, N), lambda j: (j, 0)),
    ],
    out_specs=pl.BlockSpec((RB, 1), lambda j: (j, 0)),
    compiler_params=pltpu.CompilerParams(
        dimension_semantics=("arbitrary",),
    ),
)


ROWS_PER_CORE = R // NC


def _sc_onehot_body(idx_hbm, eye_hbm, zin_hbm, out_hbm,
                    zbuf, idx_v, chunk_v, off_v, src,
                    zsem, fsem, gsem, osem):
    c = lax.axis_index("c")
    s = lax.axis_index("s")
    wid = c * NS + s

    pltpu.async_copy(zin_hbm, zbuf, zsem).wait()
    base = wid * CH_PER_W
    copies = [
        pltpu.async_copy(zbuf, out_hbm.at[pl.ds(base + k * ZROWS, ZROWS)], fsem)
        for k in range(NDMA)
    ]
    for cp in copies:
        cp.wait()

    plsc.subcore_barrier()

    @pl.when(s == 0)
    def _():
        pltpu.sync_copy(
            idx_hbm.at[pl.ds(c * ROWS_PER_CORE, ROWS_PER_CORE)], idx_v
        )
        lane = lax.iota(jnp.int32, L)
        for i in range(ROWS_PER_CORE // L):
            idxv = idx_v[pl.ds(i * L, L)]
            rows = c * ROWS_PER_CORE + i * L + lane
            chunk_v[pl.ds(i * L, L)] = rows * CHUNKS + (idxv >> 4)
            off_v[pl.ds(i * L, L)] = idxv & (L - 1)
        pltpu.async_copy(eye_hbm.at[off_v], src, gsem).wait()
        pltpu.async_copy(src, out_hbm.at[chunk_v], osem).wait()


@functools.lru_cache(maxsize=1)
def _sc_onehot_call():
    return pl.kernel(
        _sc_onehot_body,
        out_type=jax.ShapeDtypeStruct((NROWS2D, L), jnp.float32),
        mesh=plsc.VectorSubcoreMesh(
            core_axis_name="c", subcore_axis_name="s", num_cores=NC
        ),
        scratch_types=[
            pltpu.VMEM((ZROWS, L), jnp.float32),
            pltpu.VMEM((ROWS_PER_CORE,), jnp.int32),
            pltpu.VMEM((ROWS_PER_CORE,), jnp.int32),
            pltpu.VMEM((ROWS_PER_CORE,), jnp.int32),
            pltpu.VMEM((ROWS_PER_CORE, L), jnp.float32),
            pltpu.SemaphoreType.DMA,
            pltpu.SemaphoreType.DMA,
            pltpu.SemaphoreType.DMA,
            pltpu.SemaphoreType.DMA,
        ],
        compiler_params=pltpu.CompilerParams(use_tc_tiling_on_sc=False),
    )


def kernel(logits, uniform_noise):
    idx = _argmax_call(logits, uniform_noise)
    eye = jnp.eye(L, dtype=jnp.float32)
    zin = jnp.zeros((ZROWS, L), jnp.float32)
    out2d = _sc_onehot_call()(idx.reshape(R), eye, zin)
    return out2d.reshape(R, N)

# --- scband reference (transcript-rebuilt; emitter-appended) ---
"""Pipeline reference for scband-gumbel-softmax-81209241633078 (READ-ONLY COPY).

The authoritative reference and input builder live on the scoring server;
editing this copy changes nothing except your own understanding.
"""

import jax, jax.numpy as jnp
import numpy as np

TEMPERATURE = 0.5
DIM = -1
EPS = 1e-20


def setup_inputs(seed: int = 0) -> dict:
    key = jax.random.key(seed)
    k1, k2 = jax.random.split(key)
    logits = jax.random.normal(k1, (128, 100000), dtype=jnp.float32)
    uniform_noise = jax.random.uniform(k2, (128, 100000), dtype=jnp.float32)
    return {"logits": logits, "uniform_noise": uniform_noise}


def reference(logits, uniform_noise):
    # _gumbel_sample: log(-log(U + eps) + eps)  (faithful to the torch code, sign included)
    g = jnp.log(-jnp.log(uniform_noise + EPS) + EPS)
    # _gumbel_softmax_sample: softmax((logits + g) / temperature, dim)
    y = jax.nn.softmax((logits + g) / TEMPERATURE, axis=DIM)
    # hard one-hot at argmax along dim (scatter of 1s into zeros)
    ind = jnp.argmax(y, axis=DIM)
    y_hard = jax.nn.one_hot(ind, y.shape[-1], dtype=y.dtype)
    # straight-through estimator: (y_hard - y).detach() + y
    return jax.lax.stop_gradient(y_hard - y) + y

if __name__ == "__main__":
    import jax
    _d = setup_inputs()
    print(jax.jit(kernel)(*tuple(_d.values())))

</pallas_src>

<mosaic_0001>
#map = affine_map<(d0, d1) -> (0)>
#map1 = affine_map<(d0, d1) -> (0, 0)>
module attributes {stable_mosaic.version = 14 : i64} {
  func.func @_sc_onehot_body(%arg0: i32, %arg1: i32, %arg2: memref<128xi32, #tpu.memory_space<hbm>>, %arg3: memref<16x16xf32, #tpu.memory_space<hbm>>, %arg4: memref<5000x16xf32, #tpu.memory_space<hbm>>, %arg5: memref<800000x16xf32, #tpu.memory_space<hbm>>, %arg6: memref<5000x16xf32, #tpu.memory_space<vmem>>, %arg7: memref<64xi32, #tpu.memory_space<vmem>>, %arg8: memref<64xi32, #tpu.memory_space<vmem>>, %arg9: memref<64xi32, #tpu.memory_space<vmem>>, %arg10: memref<64x16xf32, #tpu.memory_space<vmem>>, %arg11: memref<!tpu.dma_semaphore, #tpu.memory_space<semaphore_mem>>, %arg12: memref<!tpu.dma_semaphore, #tpu.memory_space<semaphore_mem>>, %arg13: memref<!tpu.dma_semaphore, #tpu.memory_space<semaphore_mem>>, %arg14: memref<!tpu.dma_semaphore, #tpu.memory_space<semaphore_mem>>) attributes {dimension_semantics = [#tpu.dimension_semantics<core_parallel>, #tpu.dimension_semantics<subcore_parallel>], iteration_bounds = array<i64: 2, 16>, scalar_prefetch = 0 : i64, scratch_operands = 9 : i64, tpu.core_type = #tpu.core_type<sc_vector_subcore>, window_params = [{transform_indices = #map}, {transform_indices = #map1}, {transform_indices = #map1}, {transform_indices = #map1}]} {
    %mul3A = arith.constant 16 : i32
    %mul3A_0 = arith.muli %arg0, %mul3A : i32
    %add3A = arith.addi %mul3A_0, %arg1 : i32
    tpu.enqueue_dma source(%arg4 : memref<5000x16xf32, #tpu.memory_space<hbm>>) target(%arg6 : memref<5000x16xf32, #tpu.memory_space<vmem>>) target_semaphore(%arg11 : memref<!tpu.dma_semaphore, #tpu.memory_space<semaphore_mem>>)
    tpu.wait_dma2 semaphore(%arg11 : memref<!tpu.dma_semaphore, #tpu.memory_space<semaphore_mem>>) src(%arg4 : memref<5000x16xf32, #tpu.memory_space<hbm>>) dst(%arg6 : memref<5000x16xf32, #tpu.memory_space<vmem>>)
    %mul3A_1 = arith.constant 25000 : i32
    %mul3A_2 = arith.muli %add3A, %mul3A_1 : i32
    %add3A_3 = arith.constant 0 : i32
    %add3A_4 = arith.addi %mul3A_2, %add3A_3 : i32
    %dma_start3A = arith.constant 0 : i32
    %dma_start3A_5 = tpu.memref_slice %arg5[%add3A_4, %dma_start3A] : memref<800000x16xf32, #tpu.memory_space<hbm>> -> memref<5000x16xf32, #tpu.memory_space<hbm>>
    %dma_start3A_6 = arith.constant 0 : i32
    %dma_start3A_7 = tpu.memref_slice %arg5[%add3A_4, %dma_start3A_6] : memref<800000x16xf32, #tpu.memory_space<hbm>> -> memref<5000x16xf32, #tpu.memory_space<hbm>>
    tpu.enqueue_dma source(%arg6 : memref<5000x16xf32, #tpu.memory_space<vmem>>) target(%dma_start3A_7 : memref<5000x16xf32, #tpu.memory_space<hbm>>) target_semaphore(%arg12 : memref<!tpu.dma_semaphore, #tpu.memory_space<semaphore_mem>>)
    %add3A_8 = arith.constant 5000 : i32
    %add3A_9 = arith.addi %mul3A_2, %add3A_8 : i32
    %dma_start3A_10 = arith.constant 0 : i32
    %dma_start3A_11 = tpu.memref_slice %arg5[%add3A_9, %dma_start3A_10] : memref<800000x16xf32, #tpu.memory_space<hbm>> -> memref<5000x16xf32, #tpu.memory_space<hbm>>
    %dma_start3A_12 = arith.constant 0 : i32
    %dma_start3A_13 = tpu.memref_slice %arg5[%add3A_9, %dma_start3A_12] : memref<800000x16xf32, #tpu.memory_space<hbm>> -> memref<5000x16xf32, #tpu.memory_space<hbm>>
    tpu.enqueue_dma source(%arg6 : memref<5000x16xf32, #tpu.memory_space<vmem>>) target(%dma_start3A_13 : memref<5000x16xf32, #tpu.memory_space<hbm>>) target_semaphore(%arg12 : memref<!tpu.dma_semaphore, #tpu.memory_space<semaphore_mem>>)
    %add3A_14 = arith.constant 10000 : i32
    %add3A_15 = arith.addi %mul3A_2, %add3A_14 : i32
    %dma_start3A_16 = arith.constant 0 : i32
    %dma_start3A_17 = tpu.memref_slice %arg5[%add3A_15, %dma_start3A_16] : memref<800000x16xf32, #tpu.memory_space<hbm>> -> memref<5000x16xf32, #tpu.memory_space<hbm>>
    %dma_start3A_18 = arith.constant 0 : i32
    %dma_start3A_19 = tpu.memref_slice %arg5[%add3A_15, %dma_start3A_18] : memref<800000x16xf32, #tpu.memory_space<hbm>> -> memref<5000x16xf32, #tpu.memory_space<hbm>>
    tpu.enqueue_dma source(%arg6 : memref<5000x16xf32, #tpu.memory_space<vmem>>) target(%dma_start3A_19 : memref<5000x16xf32, #tpu.memory_space<hbm>>) target_semaphore(%arg12 : memref<!tpu.dma_semaphore, #tpu.memory_space<semaphore_mem>>)
    %add3A_20 = arith.constant 15000 : i32
    %add3A_21 = arith.addi %mul3A_2, %add3A_20 : i32
    %dma_start3A_22 = arith.constant 0 : i32
    %dma_start3A_23 = tpu.memref_slice %arg5[%add3A_21, %dma_start3A_22] : memref<800000x16xf32, #tpu.memory_space<hbm>> -> memref<5000x16xf32, #tpu.memory_space<hbm>>
    %dma_start3A_24 = arith.constant 0 : i32
    %dma_start3A_25 = tpu.memref_slice %arg5[%add3A_21, %dma_start3A_24] : memref<800000x16xf32, #tpu.memory_space<hbm>> -> memref<5000x16xf32, #tpu.memory_space<hbm>>
    tpu.enqueue_dma source(%arg6 : memref<5000x16xf32, #tpu.memory_space<vmem>>) target(%dma_start3A_25 : memref<5000x16xf32, #tpu.memory_space<hbm>>) target_semaphore(%arg12 : memref<!tpu.dma_semaphore, #tpu.memory_space<semaphore_mem>>)
    %add3A_26 = arith.constant 20000 : i32
    %add3A_27 = arith.addi %mul3A_2, %add3A_26 : i32
    %dma_start3A_28 = arith.constant 0 : i32
    %dma_start3A_29 = tpu.memref_slice %arg5[%add3A_27, %dma_start3A_28] : memref<800000x16xf32, #tpu.memory_space<hbm>> -> memref<5000x16xf32, #tpu.memory_space<hbm>>
    %dma_start3A_30 = arith.constant 0 : i32
    %dma_start3A_31 = tpu.memref_slice %arg5[%add3A_27, %dma_start3A_30] : memref<800000x16xf32, #tpu.memory_space<hbm>> -> memref<5000x16xf32, #tpu.memory_space<hbm>>
    tpu.enqueue_dma source(%arg6 : memref<5000x16xf32, #tpu.memory_space<vmem>>) target(%dma_start3A_31 : memref<5000x16xf32, #tpu.memory_space<hbm>>) target_semaphore(%arg12 : memref<!tpu.dma_semaphore, #tpu.memory_space<semaphore_mem>>)
    %dma_wait3A = arith.constant 0 : i32
    %dma_wait3A_32 = tpu.memref_slice %arg5[%add3A_4, %dma_wait3A] : memref<800000x16xf32, #tpu.memory_space<hbm>> -> memref<5000x16xf32, #tpu.memory_space<hbm>>
    %dma_wait3A_33 = arith.constant 0 : i32
    %dma_wait3A_34 = tpu.memref_slice %arg5[%add3A_4, %dma_wait3A_33] : memref<800000x16xf32, #tpu.memory_space<hbm>> -> memref<5000x16xf32, #tpu.memory_space<hbm>>
    tpu.wait_dma2 semaphore(%arg12 : memref<!tpu.dma_semaphore, #tpu.memory_space<semaphore_mem>>) src(%arg6 : memref<5000x16xf32, #tpu.memory_space<vmem>>) dst(%dma_wait3A_34 : memref<5000x16xf32, #tpu.memory_space<hbm>>)
    %dma_wait3A_35 = arith.constant 0 : i32
    %dma_wait3A_36 = tpu.memref_slice %arg5[%add3A_9, %dma_wait3A_35] : memref<800000x16xf32, #tpu.memory_space<hbm>> -> memref<5000x16xf32, #tpu.memory_space<hbm>>
    %dma_wait3A_37 = arith.constant 0 : i32
    %dma_wait3A_38 = tpu.memref_slice %arg5[%add3A_9, %dma_wait3A_37] : memref<800000x16xf32, #tpu.memory_space<hbm>> -> memref<5000x16xf32, #tpu.memory_space<hbm>>
    tpu.wait_dma2 semaphore(%arg12 : memref<!tpu.dma_semaphore, #tpu.memory_space<semaphore_mem>>) src(%arg6 : memref<5000x16xf32, #tpu.memory_space<vmem>>) dst(%dma_wait3A_38 : memref<5000x16xf32, #tpu.memory_space<hbm>>)
    %dma_wait3A_39 = arith.constant 0 : i32
    %dma_wait3A_40 = tpu.memref_slice %arg5[%add3A_15, %dma_wait3A_39] : memref<800000x16xf32, #tpu.memory_space<hbm>> -> memref<5000x16xf32, #tpu.memory_space<hbm>>
    %dma_wait3A_41 = arith.constant 0 : i32
    %dma_wait3A_42 = tpu.memref_slice %arg5[%add3A_15, %dma_wait3A_41] : memref<800000x16xf32, #tpu.memory_space<hbm>> -> memref<5000x16xf32, #tpu.memory_space<hbm>>
    tpu.wait_dma2 semaphore(%arg12 : memref<!tpu.dma_semaphore, #tpu.memory_space<semaphore_mem>>) src(%arg6 : memref<5000x16xf32, #tpu.memory_space<vmem>>) dst(%dma_wait3A_42 : memref<5000x16xf32, #tpu.memory_space<hbm>>)
    %dma_wait3A_43 = arith.constant 0 : i32
    %dma_wait3A_44 = tpu.memref_slice %arg5[%add3A_21, %dma_wait3A_43] : memref<800000x16xf32, #tpu.memory_space<hbm>> -> memref<5000x16xf32, #tpu.memory_space<hbm>>
    %dma_wait3A_45 = arith.constant 0 : i32
    %dma_wait3A_46 = tpu.memref_slice %arg5[%add3A_21, %dma_wait3A_45] : memref<800000x16xf32, #tpu.memory_space<hbm>> -> memref<5000x16xf32, #tpu.memory_space<hbm>>
    tpu.wait_dma2 semaphore(%arg12 : memref<!tpu.dma_semaphore, #tpu.memory_space<semaphore_mem>>) src(%arg6 : memref<5000x16xf32, #tpu.memory_space<vmem>>) dst(%dma_wait3A_46 : memref<5000x16xf32, #tpu.memory_space<hbm>>)
    %dma_wait3A_47 = arith.constant 0 : i32
    %dma_wait3A_48 = tpu.memref_slice %arg5[%add3A_27, %dma_wait3A_47] : memref<800000x16xf32, #tpu.memory_space<hbm>> -> memref<5000x16xf32, #tpu.memory_space<hbm>>
    %dma_wait3A_49 = arith.constant 0 : i32
    %dma_wait3A_50 = tpu.memref_slice %arg5[%add3A_27, %dma_wait3A_49] : memref<800000x16xf32, #tpu.memory_space<hbm>> -> memref<5000x16xf32, #tpu.memory_space<hbm>>
    tpu.wait_dma2 semaphore(%arg12 : memref<!tpu.dma_semaphore, #tpu.memory_space<semaphore_mem>>) src(%arg6 : memref<5000x16xf32, #tpu.memory_space<vmem>>) dst(%dma_wait3A_50 : memref<5000x16xf32, #tpu.memory_space<hbm>>)
    %barrier3A = arith.constant 0 : index
    tpu.barrier barrier_id(%barrier3A)
    %eq3A = arith.constant 0 : i32
    %eq3A_51 = arith.cmpi eq, %arg1, %eq3A : i32
    %convert_element_type3A = arith.extui %eq3A_51 : i1 to i32
    %cond3A = arith.constant 0 : i32
    %cond3A_52 = arith.cmpi ne, %convert_element_type3A, %cond3A : i32
    scf.if %cond3A_52 {
      %mul3A_53 = arith.constant 64 : i32
      %mul3A_54 = arith.muli %arg0, %mul3A_53 : i32
      "tpu.region"() ({
        %run_scoped3A = tpu.sem_alloc : memref<!tpu.dma_semaphore, #tpu.memory_space<semaphore_mem>>
        %dma_start3A_171 = tpu.memref_slice %arg2[%mul3A_54] : memref<128xi32, #tpu.memory_space<hbm>> -> memref<64xi32, #tpu.memory_space<hbm>>
        %dma_start3A_172 = tpu.memref_slice %arg2[%mul3A_54] : memref<128xi32, #tpu.memory_space<hbm>> -> memref<64xi32, #tpu.memory_space<hbm>>
        tpu.enqueue_dma source(%dma_start3A_172 : memref<64xi32, #tpu.memory_space<hbm>>) target(%arg7 : memref<64xi32, #tpu.memory_space<vmem>>) target_semaphore(%run_scoped3A : memref<!tpu.dma_semaphore, #tpu.memory_space<semaphore_mem>>)
        %dma_wait3A_173 = tpu.memref_slice %arg2[%mul3A_54] : memref<128xi32, #tpu.memory_space<hbm>> -> memref<64xi32, #tpu.memory_space<hbm>>
        %dma_wait3A_174 = tpu.memref_slice %arg2[%mul3A_54] : memref<128xi32, #tpu.memory_space<hbm>> -> memref<64xi32, #tpu.memory_space<hbm>>
        tpu.wait_dma2 semaphore(%run_scoped3A : memref<!tpu.dma_semaphore, #tpu.memory_space<semaphore_mem>>) src(%dma_wait3A_174 : memref<64xi32, #tpu.memory_space<hbm>>) dst(%arg7 : memref<64xi32, #tpu.memory_space<vmem>>)
        tpu.yield
      }) : () -> ()
      %iota3A = tpu.iota {dimensions = array<i32: 0>} : vector<16xi32>
      %get3A = arith.constant 0 : index
      %get3A_55 = tpu.vector_load %arg7[%get3A] {strides = array<i32>} : memref<64xi32, #tpu.memory_space<vmem>>, vector<16xi32>,
      %get3A_56 = vector.shape_cast %get3A_55 : vector<16xi32> to vector<16xi32>
      %mul3A_57 = arith.constant 64 : i32
      %mul3A_58 = arith.muli %arg0, %mul3A_57 : i32
      %add3A_59 = arith.constant 0 : i32
      %add3A_60 = arith.addi %mul3A_58, %add3A_59 : i32
      %add3A_61 = vector.broadcast %add3A_60 : i32 to vector<16xi32>
      %add3A_62 = arith.addi %add3A_61, %iota3A : vector<16xi32>
      %mul3A_63 = arith.constant 6250 : i32
      %mul3A_64 = vector.broadcast %mul3A_63 : i32 to vector<16xi32>
      %mul3A_65 = arith.muli %add3A_62, %mul3A_64 : vector<16xi32>
      %shift_right_arithmetic3A = arith.constant 4 : i32
      %shift_right_arithmetic3A_66 = vector.broadcast %shift_right_arithmetic3A : i32 to vector<16xi32>
      %shift_right_arithmetic3A_67 = arith.shrsi %get3A_56, %shift_right_arithmetic3A_66 : vector<16xi32>
      %add3A_68 = arith.addi %mul3A_65, %shift_right_arithmetic3A_67 : vector<16xi32>
      %swap3A = arith.constant 0 : index
      %swap3A_69 = tpu.vector_load %arg8[%swap3A] {strides = array<i32>} : memref<64xi32, #tpu.memory_space<vmem>>, vector<16xi32>,
      %swap3A_70 = vector.shape_cast %swap3A_69 : vector<16xi32> to vector<16xi32>
      %swap3A_71 = vector.shape_cast %add3A_68 : vector<16xi32> to vector<16xi32>
      tpu.vector_store %arg8[%swap3A], %swap3A_71 {strides = array<i32>} : memref<64xi32, #tpu.memory_space<vmem>>, vector<16xi32>,
      %and3A = arith.constant 15 : i32
      %and3A_72 = vector.broadcast %and3A : i32 to vector<16xi32>
      %and3A_73 = arith.andi %get3A_56, %and3A_72 : vector<16xi32>
      %swap3A_74 = arith.constant 0 : index
      %swap3A_75 = tpu.vector_load %arg9[%swap3A_74] {strides = array<i32>} : memref<64xi32, #tpu.memory_space<vmem>>, vector<16xi32>,
      %swap3A_76 = vector.shape_cast %swap3A_75 : vector<16xi32> to vector<16xi32>
      %swap3A_77 = vector.shape_cast %and3A_73 : vector<16xi32> to vector<16xi32>
      tpu.vector_store %arg9[%swap3A_74], %swap3A_77 {strides = array<i32>} : memref<64xi32, #tpu.memory_space<vmem>>, vector<16xi32>,
      %get3A_78 = arith.constant 16 : index
      %get3A_79 = tpu.vector_load %arg7[%get3A_78] {strides = array<i32>} : memref<64xi32, #tpu.memory_space<vmem>>, vector<16xi32>,
      %get3A_80 = vector.shape_cast %get3A_79 : vector<16xi32> to vector<16xi32>
      %mul3A_81 = arith.constant 64 : i32
      %mul3A_82 = arith.muli %arg0, %mul3A_81 : i32
      %add3A_83 = arith.constant 16 : i32
      %add3A_84 = arith.addi %mul3A_82, %add3A_83 : i32
      %add3A_85 = vector.broadcast %add3A_84 : i32 to vector<16xi32>
      %add3A_86 = arith.addi %add3A_85, %iota3A : vector<16xi32>
      %mul3A_87 = arith.constant 6250 : i32
      %mul3A_88 = vector.broadcast %mul3A_87 : i32 to vector<16xi32>
      %mul3A_89 = arith.muli %add3A_86, %mul3A_88 : vector<16xi32>
      %shift_right_arithmetic3A_90 = arith.constant 4 : i32
      %shift_right_arithmetic3A_91 = vector.broadcast %shift_right_arithmetic3A_90 : i32 to vector<16xi32>
      %shift_right_arithmetic3A_92 = arith.shrsi %get3A_80, %shift_right_arithmetic3A_91 : vector<16xi32>
      %add3A_93 = arith.addi %mul3A_89, %shift_right_arithmetic3A_92 : vector<16xi32>
      %swap3A_94 = arith.constant 16 : index
      %swap3A_95 = tpu.vector_load %arg8[%swap3A_94] {strides = array<i32>} : memref<64xi32, #tpu.memory_space<vmem>>, vector<16xi32>,
      %swap3A_96 = vector.shape_cast %swap3A_95 : vector<16xi32> to vector<16xi32>
      %swap3A_97 = vector.shape_cast %add3A_93 : vector<16xi32> to vector<16xi32>
      tpu.vector_store %arg8[%swap3A_94], %swap3A_97 {strides = array<i32>} : memref<64xi32, #tpu.memory_space<vmem>>, vector<16xi32>,
      %and3A_98 = arith.constant 15 : i32
      %and3A_99 = vector.broadcast %and3A_98 : i32 to vector<16xi32>
      %and3A_100 = arith.andi %get3A_80, %and3A_99 : vector<16xi32>
      %swap3A_101 = arith.constant 16 : index
      %swap3A_102 = tpu.vector_load %arg9[%swap3A_101] {strides = array<i32>} : memref<64xi32, #tpu.memory_space<vmem>>, vector<16xi32>,
      %swap3A_103 = vector.shape_cast %swap3A_102 : vector<16xi32> to vector<16xi32>
      %swap3A_104 = vector.shape_cast %and3A_100 : vector<16xi32> to vector<16xi32>
      tpu.vector_store %arg9[%swap3A_101], %swap3A_104 {strides = array<i32>} : memref<64xi32, #tpu.memory_space<vmem>>, vector<16xi32>,
      %get3A_105 = arith.constant 32 : index
      %get3A_106 = tpu.vector_load %arg7[%get3A_105] {strides = array<i32>} : memref<64xi32, #tpu.memory_space<vmem>>, vector<16xi32>,
      %get3A_107 = vector.shape_cast %get3A_106 : vector<16xi32> to vector<16xi32>
      %mul3A_108 = arith.constant 64 : i32
      %mul3A_109 = arith.muli %arg0, %mul3A_108 : i32
      %add3A_110 = arith.constant 32 : i32
      %add3A_111 = arith.addi %mul3A_109, %add3A_110 : i32
      %add3A_112 = vector.broadcast %add3A_111 : i32 to vector<16xi32>
      %add3A_113 = arith.addi %add3A_112, %iota3A : vector<16xi32>
      %mul3A_114 = arith.constant 6250 : i32
      %mul3A_115 = vector.broadcast %mul3A_114 : i32 to vector<16xi32>
      %mul3A_116 = arith.muli %add3A_113, %mul3A_115 : vector<16xi32>
      %shift_right_arithmetic3A_117 = arith.constant 4 : i32
      %shift_right_arithmetic3A_118 = vector.broadcast %shift_right_arithmetic3A_117 : i32 to vector<16xi32>
      %shift_right_arithmetic3A_119 = arith.shrsi %get3A_107, %shift_right_arithmetic3A_118 : vector<16xi32>
      %add3A_120 = arith.addi %mul3A_116, %shift_right_arithmetic3A_119 : vector<16xi32>
      %swap3A_121 = arith.constant 32 : index
      %swap3A_122 = tpu.vector_load %arg8[%swap3A_121] {strides = array<i32>} : memref<64xi32, #tpu.memory_space<vmem>>, vector<16xi32>,
      %swap3A_123 = vector.shape_cast %swap3A_122 : vector<16xi32> to vector<16xi32>
      %swap3A_124 = vector.shape_cast %add3A_120 : vector<16xi32> to vector<16xi32>
      tpu.vector_store %arg8[%swap3A_121], %swap3A_124 {strides = array<i32>} : memref<64xi32, #tpu.memory_space<vmem>>, vector<16xi32>,
      %and3A_125 = arith.constant 15 : i32
      %and3A_126 = vector.broadcast %and3A_125 : i32 to vector<16xi32>
      %and3A_127 = arith.andi %get3A_107, %and3A_126 : vector<16xi32>
      %swap3A_128 = arith.constant 32 : index
      %swap3A_129 = tpu.vector_load %arg9[%swap3A_128] {strides = array<i32>} : memref<64xi32, #tpu.memory_space<vmem>>, vector<16xi32>,
      %swap3A_130 = vector.shape_cast %swap3A_129 : vector<16xi32> to vector<16xi32>
      %swap3A_131 = vector.shape_cast %and3A_127 : vector<16xi32> to vector<16xi32>
      tpu.vector_store %arg9[%swap3A_128], %swap3A_131 {strides = array<i32>} : memref<64xi32, #tpu.memory_space<vmem>>, vector<16xi32>,
      %get3A_132 = arith.constant 48 : index
      %get3A_133 = tpu.vector_load %arg7[%get3A_132] {strides = array<i32>} : memref<64xi32, #tpu.memory_space<vmem>>, vector<16xi32>,
      %get3A_134 = vector.shape_cast %get3A_133 : vector<16xi32> to vector<16xi32>
      %mul3A_135 = arith.constant 64 : i32
      %mul3A_136 = arith.muli %arg0, %mul3A_135 : i32
      %add3A_137 = arith.constant 48 : i32
      %add3A_138 = arith.addi %mul3A_136, %add3A_137 : i32
      %add3A_139 = vector.broadcast %add3A_138 : i32 to vector<16xi32>
      %add3A_140 = arith.addi %add3A_139, %iota3A : vector<16xi32>
      %mul3A_141 = arith.constant 6250 : i32
      %mul3A_142 = vector.broadcast %mul3A_141 : i32 to vector<16xi32>
      %mul3A_143 = arith.muli %add3A_140, %mul3A_142 : vector<16xi32>
      %shift_right_arithmetic3A_144 = arith.constant 4 : i32
      %shift_right_arithmetic3A_145 = vector.broadcast %shift_right_arithmetic3A_144 : i32 to vector<16xi32>
      %shift_right_arithmetic3A_146 = arith.shrsi %get3A_134, %shift_right_arithmetic3A_145 : vector<16xi32>
      %add3A_147 = arith.addi %mul3A_143, %shift_right_arithmetic3A_146 : vector<16xi32>
      %swap3A_148 = arith.constant 48 : index
      %swap3A_149 = tpu.vector_load %arg8[%swap3A_148] {strides = array<i32>} : memref<64xi32, #tpu.memory_space<vmem>>, vector<16xi32>,
      %swap3A_150 = vector.shape_cast %swap3A_149 : vector<16xi32> to vector<16xi32>
      %swap3A_151 = vector.shape_cast %add3A_147 : vector<16xi32> to vector<16xi32>
      tpu.vector_store %arg8[%swap3A_148], %swap3A_151 {strides = array<i32>} : memref<64xi32, #tpu.memory_space<vmem>>, vector<16xi32>,
      %and3A_152 = arith.constant 15 : i32
      %and3A_153 = vector.broadcast %and3A_152 : i32 to vector<16xi32>
      %and3A_154 = arith.andi %get3A_134, %and3A_153 : vector<16xi32>
      %swap3A_155 = arith.constant 48 : index
      %swap3A_156 = tpu.vector_load %arg9[%swap3A_155] {strides = array<i32>} : memref<64xi32, #tpu.memory_space<vmem>>, vector<16xi32>,
      %swap3A_157 = vector.shape_cast %swap3A_156 : vector<16xi32> to vector<16xi32>
      %swap3A_158 = vector.shape_cast %and3A_154 : vector<16xi32> to vector<16xi32>
      tpu.vector_store %arg9[%swap3A_155], %swap3A_158 {strides = array<i32>} : memref<64xi32, #tpu.memory_space<vmem>>, vector<16xi32>,
      %dma_start3A_159 = arith.constant 0 : i32
      %dma_start3A_160 = arith.constant 0 : i32
      %dma_start3A_161 = tpu.memref_slice %arg3[%dma_start3A_159, %dma_start3A_160] : memref<16x16xf32, #tpu.memory_space<hbm>> -> memref<16x16xf32, #tpu.memory_space<hbm>>
      tpu.enqueue_indirect_dma source(%dma_start3A_161 : memref<16x16xf32, #tpu.memory_space<hbm>>) target(%arg10 : memref<64x16xf32, #tpu.memory_space<vmem>>) offsets(%arg9 : memref<64xi32, #tpu.memory_space<vmem>>) semaphore(%arg13 : memref<!tpu.dma_semaphore, #tpu.memory_space<semaphore_mem>>)
      %dma_wait3A_162 = arith.constant 0 : i32
      %dma_wait3A_163 = arith.constant 0 : i32
      %dma_wait3A_164 = tpu.memref_slice %arg3[%dma_wait3A_162, %dma_wait3A_163] : memref<16x16xf32, #tpu.memory_space<hbm>> -> memref<16x16xf32, #tpu.memory_space<hbm>>
      tpu.wait_indirect_dma semaphore(%arg13 : memref<!tpu.dma_semaphore, #tpu.memory_space<semaphore_mem>>) src(%dma_wait3A_164 : memref<16x16xf32, #tpu.memory_space<hbm>>) dst(%arg10 : memref<64x16xf32, #tpu.memory_space<vmem>>)
      %dma_start3A_165 = arith.constant 0 : i32
      %dma_start3A_166 = arith.constant 0 : i32
      %dma_start3A_167 = tpu.memref_slice %arg5[%dma_start3A_165, %dma_start3A_166] : memref<800000x16xf32, #tpu.memory_space<hbm>> -> memref<800000x16xf32, #tpu.memory_space<hbm>>
      tpu.enqueue_indirect_dma source(%arg10 : memref<64x16xf32, #tpu.memory_space<vmem>>) target(%dma_start3A_167 : memref<800000x16xf32, #tpu.memory_space<hbm>>) offsets(%arg8 : memref<64xi32, #tpu.memory_space<vmem>>) semaphore(%arg14 : memref<!tpu.dma_semaphore, #tpu.memory_space<semaphore_mem>>)
      %dma_wait3A_168 = arith.constant 0 : i32
      %dma_wait3A_169 = arith.constant 0 : i32
      %dma_wait3A_170 = tpu.memref_slice %arg5[%dma_wait3A_168, %dma_wait3A_169] : memref<800000x16xf32, #tpu.memory_space<hbm>> -> memref<800000x16xf32, #tpu.memory_space<hbm>>
      tpu.wait_indirect_dma semaphore(%arg14 : memref<!tpu.dma_semaphore, #tpu.memory_space<semaphore_mem>>) src(%arg10 : memref<64x16xf32, #tpu.memory_space<vmem>>) dst(%dma_wait3A_170 : memref<800000x16xf32, #tpu.memory_space<hbm>>)
    } else {
    }
    return
  }
}

module attributes {stable_mosaic.version = 14 : i64} {
  func.func @_argmax_body(%arg0: i32, %arg1: memref<8x100000xf32, #tpu.memory_space<vmem>>, %arg2: memref<8x100000xf32, #tpu.memory_space<vmem>>, %arg3: memref<8x1xi32, #tpu.memory_space<vmem>>) attributes {dimension_semantics = [#tpu.dimension_semantics<arbitrary>], iteration_bounds = array<i64: 16>, scalar_prefetch = 0 : i64, scratch_operands = 0 : i64, tpu.core_type = #tpu.core_type<tc>, window_params = [{transform_indices = @transform_0, window_bounds = array<i64: 8, 100000>}, {transform_indices = @transform_1, window_bounds = array<i64: 8, 100000>}, {transform_indices = @transform_2, window_bounds = array<i64: 8, 1>}]} {
    %get3A = arith.constant 0 : index
    %get3A_0 = arith.constant 0 : index
    %get3A_1 = vector.load %arg2[%get3A, %get3A_0] : memref<8x100000xf32, #tpu.memory_space<vmem>>, vector<8x100000xf32>
    %add3A = arith.constant 9.99999968E-21 : f32
    %add3A_2 = vector.broadcast %add3A : f32 to vector<8x100000xf32>
    %add3A_3 = arith.addf %get3A_1, %add3A_2 : vector<8x100000xf32>
    %log3A = math.log %add3A_3 : vector<8x100000xf32>
    %neg3A = arith.constant 0.000000e+00 : f32
    %neg3A_4 = vector.broadcast %neg3A : f32 to vector<8x100000xf32>
    %neg3A_5 = arith.subf %neg3A_4, %log3A : vector<8x100000xf32>
    %add3A_6 = arith.constant 9.99999968E-21 : f32
    %add3A_7 = vector.broadcast %add3A_6 : f32 to vector<8x100000xf32>
    %add3A_8 = arith.addf %neg3A_5, %add3A_7 : vector<8x100000xf32>
    %log3A_9 = math.log %add3A_8 : vector<8x100000xf32>
    %get3A_10 = arith.constant 0 : index
    %get3A_11 = arith.constant 0 : index
    %get3A_12 = vector.load %arg1[%get3A_10, %get3A_11] : memref<8x100000xf32, #tpu.memory_space<vmem>>, vector<8x100000xf32>
    %add3A_13 = arith.addf %get3A_12, %log3A_9 : vector<8x100000xf32>
    %iota3A = tpu.iota {dimensions = array<i32: 1>} : vector<8x100000xi32>
    %lt3A = arith.constant 100000 : i32
    %lt3A_14 = vector.broadcast %lt3A : i32 to vector<8x100000xi32>
    %lt3A_15 = arith.cmpi slt, %iota3A, %lt3A_14 : vector<8x100000xi32>
    %jit3A = arith.constant 0xFF800000 : f32
    %broadcast_in_dim3A = vector.broadcast %jit3A : f32 to vector<8x100000xf32>
    %select_n3A = arith.select %lt3A_15, %add3A_13, %broadcast_in_dim3A : vector<8x100000xi1>, vector<8x100000xf32>
    %reduce_max3A = arith.constant dense<0xFF800000> : vector<8xf32>
    %reduce_max3A_16 = vector.multi_reduction <maximumf>, %select_n3A, %reduce_max3A [1] : vector<8x100000xf32> to vector<8xf32>
    %broadcast_in_dim3A_17 = vector.shape_cast %reduce_max3A_16 : vector<8xf32> to vector<8x1xf32>
    %eq3A = vector.broadcast %broadcast_in_dim3A_17 : vector<8x1xf32> to vector<8x100000xf32>
    %eq3A_18 = arith.cmpf oeq, %select_n3A, %eq3A : vector<8x100000xf32>
    %jit3A_19 = arith.constant 2147483647 : i32
    %broadcast_in_dim3A_20 = vector.broadcast %jit3A_19 : i32 to vector<8x100000xi32>
    %select_n3A_21 = arith.select %eq3A_18, %iota3A, %broadcast_in_dim3A_20 : vector<8x100000xi1>, vector<8x100000xi32>
    %reduce_min3A = arith.constant dense<2147483647> : vector<8xi32>
    %reduce_min3A_22 = vector.multi_reduction <minsi>, %select_n3A_21, %reduce_min3A [1] : vector<8x100000xi32> to vector<8xi32>
    %broadcast_in_dim3A_23 = vector.shape_cast %reduce_min3A_22 : vector<8xi32> to vector<8x1xi32>
    %swap3A = arith.constant 0 : index
    %swap3A_24 = arith.constant 0 : index
    %swap3A_25 = vector.load %arg3[%swap3A, %swap3A_24] : memref<8x1xi32, #tpu.memory_space<vmem>>, vector<8x1xi32>
    tpu.vector_store %arg3[%swap3A, %swap3A_24], %broadcast_in_dim3A_23 {strides = array<i32>} : memref<8x1xi32, #tpu.memory_space<vmem>>, vector<8x1xi32>,
    return
  }
  func.func @transform_0(%arg0: i32) -> (i32, i32) {
    %c0_i32 = arith.constant 0 : i32
    %c0_i32_0 = arith.constant 0 : i32
    return %arg0, %c0_i32 : i32, i32
  }
  func.func @transform_1(%arg0: i32) -> (i32, i32) {
    %c0_i32 = arith.constant 0 : i32
    %c0_i32_0 = arith.constant 0 : i32
    return %arg0, %c0_i32 : i32, i32
  }
  func.func @transform_2(%arg0: i32) -> (i32, i32) {
    %c0_i32 = arith.constant 0 : i32
    %c0_i32_0 = arith.constant 0 : i32
    return %arg0, %c0_i32 : i32, i32
  }
}

</mosaic_0001>

<sc_bundles>
// kernel: kernel.4.cloned.1.call-start
scs
__scs_entry_jumppad:
0x0: {  	(pc) =	sbr.rel $0x88, $3  }
0x1: {  	(tag) =	ssettag $0x0;
	lr =	simm.s32 $0x1  }
0x2: {  	[smem:$0x3F9F] =	sst lr;
	_ =	strace $0xD0000000  }
0x3: {  	_ = 	snop  }
0x4: {  	_ = 	snop  }
0x5: {  	_ = 	snop  }
0x6: {  	_ = 	snop  }
0x7: {  	_ = 	snop  }
__scs_overlays_trampoline_lowered:
0x8: {  	[smem:$0x3FAE] =	sst s0  }
0x9: {  	[smem:$0x3FAF] =	sst s1  }
0xa: {  	[smem:$0x3FB0] =	sst s2  }
0xb: {  	[smem:$0x3FB1] =	sst s3  }
0xc: {  	[smem:$0x3FB2] =	sst s4  }
0xd: {  	[smem:$0x3FB3] =	sst s5  }
0xe: {  	[smem:$0x3FB4] =	sst s6  }
0xf: {  	[smem:$0x3FB5] =	sst s7  }
0x10: {  	[smem:$0x3FB6] =	sst s8  }
0x11: {  	[smem:$0x3FB7] =	sst s9;
	s0 =	simm.s32 @!p0 $0x0  }
0x12: {  	s1 =	sld [smem:$0x3F9D];
	s0 =	simm.s32 @p0 $0x1  }
0x13: {  	[smem:$0x3FB8] =	sst s0;
	s0 =	simm.s32 @!p1 $0x0  }
0x14: {  	s2 =	sld [smem:$0x3F9C];
	s0 =	simm.s32 @p1 $0x1  }
0x15: {  	[smem:$0x3FB9] =	sst s0;
	s0 =	simm.s32 @!p2 $0x0  }
0x16: {  	s3 =	sld [smem:$0x3FDB];
	s0 =	simm.s32 @p2 $0x1  }
0x17: {  	s4 =	simm.s32 $0x1BF5;
	[smem:$0x3FBB] =	sst s0  }
0x18: {  	s0 =	sld [smem:$0x3F9E];
	_ =	swait.ge [sflag:s4], $0x0  }
0x19: {  	s7 =	sld [smem:$0x3F9F]  }
0x1a: {  	s8 =	sadd.s32 $0xFFFFE003, lr  }
0x1b: {  	s9 =	sadd.s32 $0xFFFFFEF7, lr;
	s5 =	simm.s32 $0xFFFFFFFF;
	p2 =	slt.u32 s8, $0xFFFFF086  }
0x1c: {  	p1 =	slt.u32 s9, $0xF7A;
	s5 =	simm.s32 @!p2 $0x0  }
0x1d: {  	s5 =	simm.s32 @p1 $0x1;
	p0 =	seq.s32 s7, s2  }
0x1e: {  	s7 =	smul.u32 @!p0 $0xF7A, s2;
	p2 =	seq.s32 @!p0 s5, $0x0  }
0x1f: {  	s9 =	smul.u32 $0xF7A, s1;
	s8 =	simm.s32 @!p0 $0x1BF5;
	p2 =	por !p2, p0  }
0x20: {  	[sflag:s8] =	ssyncset.s32 @!p0 $0xFFFFF086;
	s6 =	sadd.s32 @!p0 s3, s7;
	s7 =	simm.s32 @!p0 $0x108  }
0x21: {  	s3 =	sadd.s32 s3, s9;
	s6 =	sadd.s32 @!p0 $0x88, s6;
	s7 =	simm.s32 @p2 $0x1082  }
0x22: {  	[simem:s7], [sflag:s8] =	dma.local @!p0 [hbm:s6], $0xF7A  }
0x23: {  	s9 =	sor.u32 $0xD0000000, s2;
	s6 =	simm.s32 $0x108;
	_ =	swait.ge @!p0 [sflag:s8], $0x0  }
0x24: {  	s3 =	sadd.s32 $0x88, s3;
	s6 =	simm.s32 @!p1 $0x1082;
	[sflag:s4] =	ssyncset.s32 $0xFFFFF086  }
0x25: {  	[simem:s6], [sflag:s4] =	dma.local [hbm:s3], $0xF7A  }
0x26: {  	[smem:$0x3F9F] =	sst s1;
	(tag) =	ssettag s2;
	_ =	strace s9  }
0x27: {  	s1 =	sld [smem:$0x3FAF]  }
0x28: {  	s2 =	sld [smem:$0x3FB0]  }
0x29: {  	s4 =	sld [smem:$0x3FB2]  }
0x2a: {  	p0 =	seq.s32 s5, $0x0;
	s5 =	sld [smem:$0x3FB3]  }
0x2b: {  	s6 =	sld [smem:$0x3FB4]  }
0x2c: {  	s7 =	sld [smem:$0x3FB5]  }
0x2d: {  	s3 =	simm.s32 $0x108;
	s8 =	sld [smem:$0x3FB6]  }
0x2e: {  	s3 =	simm.s32 @!p0 $0x1082;
	s9 =	sld [smem:$0x3FB7]  }
0x2f: {  	lr =	sadd.s32 s0, s3;
	s0 =	sld [smem:$0x3FAE]  }
0x30: {  	s3 =	sld [smem:$0x3FB1]  }
0x31: {  	[smem:$0x3FBA] =	sst s10  }
0x32: {  	s10 =	sld [smem:$0x3FB8];
	_ =	sdelay $0x3  }
0x33: {  	p0 =	seq.s32 s10, $0x1;
	s10 =	sld [smem:$0x3FBA];
	_ =	sdelay $0x3  }
0x34: {  	[smem:$0x3FBA] =	sst s10  }
0x35: {  	s10 =	sld [smem:$0x3FB9];
	_ =	sdelay $0x3  }
0x36: {  	p1 =	seq.s32 s10, $0x1;
	s10 =	sld [smem:$0x3FBA];
	_ =	sdelay $0x3  }
0x37: {  	[smem:$0x3FBA] =	sst s10  }
0x38: {  	s10 =	sld [smem:$0x3FBB]  }
0x39: {  	_ = 	snop;
	(pc) =	sbr.ind lr, $3  }
0x3a: {  	_ = 	snop  }
0x3b: {  	_ = 	snop  }
0x3c: {  	p2 =	seq.s32 s10, $0x1;
	s10 =	sld [smem:$0x3FBA]  }
0x3d: {  	_ =	shalt  }
0x3e: {  	_ =	shalt  }
0x3f: {  	_ =	shalt  }
0x40: {  	_ =	shalt  }
0x41: {  	_ =	shalt  }
0x42: {  	_ =	shalt  }
0x43: {  	_ =	shalt  }
0x44: {  	_ =	shalt  }
0x45: {  	_ =	shalt  }
0x46: {  	_ =	shalt  }
0x47: {  	_ =	shalt  }
0x48: {  	_ =	shalt  }
0x49: {  	_ =	shalt  }
0x4a: {  	_ =	shalt  }
0x4b: {  	_ =	shalt  }
0x4c: {  	_ =	shalt  }
0x4d: {  	_ =	shalt  }
0x4e: {  	_ =	shalt  }
0x4f: {  	_ =	shalt  }
0x50: {  	_ =	shalt  }
0x51: {  	_ =	shalt  }
0x52: {  	_ =	shalt  }
0x53: {  	_ =	shalt  }
0x54: {  	_ =	shalt  }
0x55: {  	_ =	shalt  }
0x56: {  	_ =	shalt  }
0x57: {  	_ =	shalt  }
0x58: {  	_ =	shalt  }
0x59: {  	_ =	shalt  }
0x5a: {  	_ =	shalt  }
0x5b: {  	_ =	shalt  }
0x5c: {  	_ =	shalt  }
0x5d: {  	_ =	shalt  }
0x5e: {  	_ =	shalt  }
0x5f: {  	_ =	shalt  }
0x60: {  	_ =	shalt  }
0x61: {  	_ =	shalt  }
0x62: {  	_ =	shalt  }
0x63: {  	_ =	shalt  }
0x64: {  	_ =	shalt  }
0x65: {  	_ =	shalt  }
0x66: {  	_ =	shalt  }
0x67: {  	_ =	shalt  }
0x68: {  	_ =	shalt  }
0x69: {  	_ =	shalt  }
0x6a: {  	_ =	shalt  }
0x6b: {  	_ =	shalt  }
0x6c: {  	_ =	shalt  }
0x6d: {  	_ =	shalt  }
0x6e: {  	_ =	shalt  }
0x6f: {  	_ =	shalt  }
0x70: {  	_ =	shalt  }
0x71: {  	_ =	shalt  }
0x72: {  	_ =	shalt  }
0x73: {  	_ =	shalt  }
0x74: {  	_ =	shalt  }
0x75: {  	_ =	shalt  }
0x76: {  	_ =	shalt  }
0x77: {  	_ =	shalt  }
0x78: {  	_ =	shalt  }
0x79: {  	_ =	shalt  }
0x7a: {  	_ =	shalt  }
0x7b: {  	_ =	shalt  }
0x7c: {  	_ =	shalt  }
0x7d: {  	_ =	shalt  }
0x7e: {  	_ =	shalt  }
0x7f: {  	_ =	shalt  }
0x80: {  	_ =	shalt  }
0x81: {  	_ =	shalt  }
0x82: {  	_ =	shalt  }
0x83: {  	_ =	shalt  }
0x84: {  	_ =	shalt  }
0x85: {  	_ =	shalt  }
0x86: {  	_ =	shalt  }
0x87: {  	_ =	shalt  }
.Lfunc_end0:
.L_simem_size_0:
called_computation.1_lowered:
.L_overlay_start_0:
0x88: {  	s2 =	sld [smem:$0x3FD9]  }
0x89: {  	s3 =	sld [smem:$0x3FFE];
	_ =	sdelay $0x1  }
0x8a: {  	s1 =	srdreg.scid  }
0x8b: {  	s0 =	sand.u32 $0x1, s1  }
0x8c: {  	s17 =	sshll.u32 s0, $0xA;
	s2 =	sadd.s32 s3, s2  }
0x8d: {  	s2 =	sadd.s32 s2, s17  }
0x8e: {  	[smem:$0x3FC6] =	sst s2  }
0x8f: {  	_ = 	snop  }
0x90: {  	s2 =	sld [smem:$0x3FD0];
	(tm) =	ssettm $0x1  }
0x91: {  	s18 =	sld [smem:$0x3FFB];
	_ =	sdelay $0x3  }
0x92: {  	_ =	strace s18  }
0x93: {  	s3 =	sld [smem:$0x3FFC];
	_ =	sdelay $0x3  }
0x94: {  	_ =	strace s3  }
0x95: {  	s3 =	sld [smem:$0x3FFD];
	_ =	sdelay $0x3  }
0x96: {  	_ =	strace s3  }
0x97: {  	_ =	strace $0x8FFFFFFF  }
0x98: {  	s19 =	sld [smem:$0x3FDB];
	_ =	sdelay $0x1  }
0x99: {  	s4 =	simm.s32 $_scs_section_size  }
0x9a: {  	s5 =	simm.s32 $_size__tile_overlayer_lowered;
	s6 =	simm.s32 $_tile_overlayer_lowered  }
0x9b: {  	s22 =	simm.s32 $0x1BFF;
	s21 =	sshll.u32 s6, $0x1;
	s3 =	sadd.s32 s4, s19  }
0x9c: {  	s7 =	simm.s32 $0x0;
	s20 =	sshll.u32 s5, $0x1;
	s5 =	sadd.s32 s21, s3  }
0x9d: {  	[timem:s7], [sflag:s22] =	dma.local [hbm:s5], s20  }
0x9e: {  	_ =	swait.ge [sflag:s22], s20  }
0x9f: {  	s4 =	ssub.s32 $0x0, s20;
	[sflag:s22] =	ssyncset.done $0x0  }
0xa0: {  	[sflag:s22] =	ssyncadd.s32 s4;
	_ =	sdelay $0x1  }
0xa1: {  	s23 =	simm.s32 $0x1B8B  }
0xa2: {  	_ =	swait.ge [sflag:s23], $0x1  }
0xa3: {  	[sflag:s23] =	ssyncset.done $0x0  }
0xa4: {  	s25 =	simm.s32 $0x1B8E;
	s24 =	sld [smem:$0x3FFE];
	[sflag:s23] =	ssyncadd.s32 $0xFFFFFFFF  }
0xa5: {  	s26 =	simm.s32 $execute0_lowered;
	[smem:$0x3FD2] =	sst s25  }
0xa6: {  	s5 =	sshll.u32 s26, $0x1;
	_ =	strace $0x80000046;
	[dreg:$0x1] =	wrdreg $0xFFFFFFFF  }
0xa7: {  	s28 =	simm.s32 $_size_execute0_lowered;
	s3 =	sadd.s32 s3, s5;
	[dreg:$0x0] =	wrdreg $0x0  }
0xa8: {  	s5 =	sshll.u32 s28, $0x1;
	[dreg:$0x2] =	wrdreg s3  }
0xa9: {  	[dreg:$0x3] =	wrdreg s5  }
0xaa: {  	[dreg:$0x4] =	wrdreg $0xC0  }
0xab: {  	_ =	task [dreg:s7], $0x5FFFF  }
0xac: {  	[dreg:$0x1] =	wrdreg $0xFFFFFFFF  }
0xad: {  	[dreg:$0x0] =	wrdreg $0x60  }
0xae: {  	[dreg:$0x2] =	wrdreg s24  }
0xaf: {  	[dreg:$0x3] =	wrdreg s2  }
0xb0: {  	[dreg:$0x4] =	wrdreg $0x9  }
0xb1: {  	_ =	task.clear_ibuf [dreg:s7], $0x5FFFF;
	_ =	strace $0x90000046  }
0xb2: {  	s29 =	simm.s32 $0x9;
	_ =	strace $0x80000048  }
0xb3: {  	_ =	swait.ge [sflag:s29], $0x1  }
0xb4: {  	[sflag:s29] =	ssyncadd.s32 $0xFFFFFFFF  }
0xb5: {  	_ =	strace $0x90000048  }
0xb6: {  	_ =	sfence  }
0xb7: {  	s30 =	sld [smem:$0x0];
	_ =	sdelay $0x2  }
0xb8: {  	s31 =	sshll.u32 s1, $0xD;
	s1 =	sshrl.u32 s1, $0x2  }
0xb9: {  	s3 =	sand.u32 $0x4000, s31;
	s1 =	sadd.s32 s1, s30  }
0xba: {  	s0 =	sor.u32 s3, s0;
	s1 =	sshll.u32 s1, $0x11  }
0xbb: {  	s0 =	sor.u32 s1, s0  }
0xbc: {  	s0 =	sadd.s32 $0x8F2B, s0  }
0xbd: {  	[sflag:s0] =	ssyncadd.remote.s32 $0x1  }
0xbe: {  	_ =	sfence.sel $0xFFFF  }
0xbf: {  	[dreg:$0x0] =	wrdreg $0xFFFFFFFF;
	(pc) =	sbr.abs _section_cstart, $3  }
0xc0: {  	[dreg:$0x1] =	wrdreg $0xFFFFFFFF  }
0xc1: {  	_ =	task.clear_ibuf [dreg:s7], $0x2FFFF;
	_ =	strace $0x9FFFFFFF  }
0xc2: {  	(tm) =	ssettm $0x7FFFFFFF  }
0xc3: {  	_ =	shalt  }
tec
execute0_lowered:
.L_overlay_start_1:
0x0: {  	(tag) =	ssettag $0x1  }
0x1: {  	s15 =	rddreg [dreg:$0x0]  }
0x2: {  	s1 =	rddreg [dreg:$0x1];
	s3 =	srdreg.scid  }
0x3: {  	s0 =	rddreg [dreg:$0x2];
	s16 =	sand.u32 $0x1, s3  }
0x4: {  	s2 =	simm.s32 $0x0;
	s11 =	stileid.u32;
	s3 =	sshll.u32 s16, $0x4  }
0x5: {  	s4 =	simm.s32 $0x1;
	[smem:$0x7FF] =	sst s2;
	s5 =	sor.u32 s11, s3  }
0x6: {  	_ =	strace $0x80000047;
	s3 =	sadd.s32 $0x600, s15;
	s6 =	smul.u32 $0x61A80, s5  }
0x7: {  	[tilespmem:s2], [sflag:$0x1] =	stream.linear.gather [hbm4b:s3+s2], $0x13880, $0x38;
	[tilespmem:$0x13D40] =	vst v63  }
0x8: {  	s5 =	smul.u32 $0xC350, s5;
	_ =	swait.ge [sflag:s4], $0x13880  }
0x9: {  	s6 =	sshrl.u32 s6, $0x3;
	[sflag:s4] =	ssyncset.done $0x0  }
0xa: {  	s5 =	sadd.s32 s1, s5;
	s9 =	sadd.s32 s1, s6;
	[sflag:s4] =	ssyncadd.s32 $0xFFFEC780  }
0xb: {  	[hbm4b:s5+s2] =	stream.linear.scatter [tilespmem:s2], [sflag:$0x2], $0x13880, $0x38;
	[tilespmem:$0x13D40] =	vst v63  }
0xc: {  	s6 =	sadd.s32 $0x2710, s9  }
0xd: {  	[hbm4b:s6+s2] =	stream.linear.scatter [tilespmem:s2], [sflag:$0x2], $0x13880, $0x38;
	[tilespmem:$0x13D40] =	vst v63  }
0xe: {  	s7 =	sadd.s32 $0x4E20, s9  }
0xf: {  	[hbm4b:s7+s2] =	stream.linear.scatter [tilespmem:s2], [sflag:$0x2], $0x13880, $0x38;
	[tilespmem:$0x13D40] =	vst v63  }
0x10: {  	s8 =	sadd.s32 $0x7530, s9  }
0x11: {  	[hbm4b:s8+s2] =	stream.linear.scatter [tilespmem:s2], [sflag:$0x2], $0x13880, $0x38;
	[tilespmem:$0x13D40] =	vst v63  }
0x12: {  	s10 =	simm.s32 $0x2;
	s9 =	sadd.s32 $0x9C40, s9  }
0x13: {  	[hbm4b:s9+s2] =	stream.linear.scatter [tilespmem:s2], [sflag:$0x2], $0x13880, $0x38;
	[tilespmem:$0x13D40] =	vst v63  }
0x14: {  	_ =	swait.ge [sflag:s10], $0x13880  }
0x15: {  	[sflag:s10] =	ssyncset.done $0x0  }
0x16: {  	[sflag:s10] =	ssyncadd.s32 $0xFFFEC780  }
0x17: {  	_ =	swait.ge [sflag:s10], $0x13880  }
0x18: {  	[sflag:s10] =	ssyncset.done $0x0  }
0x19: {  	[sflag:s10] =	ssyncadd.s32 $0xFFFEC780  }
0x1a: {  	_ =	swait.ge [sflag:s10], $0x13880  }
0x1b: {  	[sflag:s10] =	ssyncset.done $0x0  }
0x1c: {  	[sflag:s10] =	ssyncadd.s32 $0xFFFEC780  }
0x1d: {  	_ =	swait.ge [sflag:s10], $0x13880  }
0x1e: {  	[sflag:s10] =	ssyncset.done $0x0  }
0x1f: {  	[sflag:s10] =	ssyncadd.s32 $0xFFFEC780  }
0x20: {  	p0 =	sne.s32 s11, $0x0;
	_ =	swait.ge [sflag:s10], $0x13880  }
0x21: {  	s12 =	sshll.u32 s16, $0x3;
	s13 =	simm.s32 @!p0 $0x0;
	[sflag:s10] =	ssyncset.done $0x0  }
0x22: {  	s14 =	simm.s32 @!p0 $0x13880;
	s12 =	sadd.s32 s12, s15;
	[sflag:s10] =	ssyncadd.s32 $0xFFFEC780  }
0x23: {  	s11 =	sadd.s32 $0x400, s12;
	s12 =	simm.s32 @!p0 $0x5;
	[bflag:$0x0] =	sbarrier.arrive $0xFFFF  }
0x24: {  	[tilespmem:s14], [sflag:$0x5] =	stream.linear.gather @!p0 [hbm4b:s11+s13], $0x40, $0x38;
	[tilespmem:$0x13D40] =	vst v63  }
0x25: {  	_ =	swait.ge @!p0 [sflag:s12], $0x40  }
0x26: {  	[sflag:s12] =	ssyncset.done @!p0 $0x0  }
0x27: {  	[sflag:s12] =	ssyncadd.s32 @!p0 $0xFFFFFFC0  }
0x28: {  	s17 =	sshll.u32 s16, $0x6;
	v3 =	vld @!p0 [tilespmem:$0x138B0]  }
0x29: {  	v1 =	vlaneseq.u32;
	s18 =	sor.u32 $0x10, s17;
	v4 =	vld @!p0 [tilespmem:$0x13890]  }
0x2a: {  	v7 =	vmul.u32 $0x186A, v1;
	v0 =	vmov s17;
	s30 =	sor.u32 $0x20, s17;
	v5 =	vmov s18;
	v2 =	vld @!p0 [tilespmem:$0x138A0]  }
0x2b: {  	s17 =	sor.u32 $0x30, s17;
	v0 =	vmul.u32 $0x186A, v0;
	v1 =	vmul.u32 $0x186A, v5;
	v5 =	vmov s30;
	v6 =	vld @!p0 [tilespmem:$0x13880]  }
0x2c: {  	s16 =	ssub.s32 $0x2, s16;
	v8 =	vmov s17;
	v5 =	vmul.u32 $0x186A, v5  }
0x2d: {  	s31 =	sshrl.u32 s16, $0x1;
	v8 =	vmul.u32 $0x186A, v8;
	v0 =	vbroadcast v0, $0x0;
	v9 =	vand.u32 @!p0 $0xF, v3  }
0x2e: {  	s16 =	ssub.s32 s16, s31;
	v10 =	vbroadcast v1, $0x0;
	v1 =	vbroadcast v5, $0x0;
	v5 =	vand.u32 @!p0 $0xF, v4;
	[tilespmem:$0x13930] =	vst @!p0 v9  }
0x2f: {  	s16 =	smax.u32 s16, $0x1;
	v8 =	vbroadcast v8, $0x0;
	v9 =	vand.u32 @!p0 $0xF, v2;
	[tilespmem:$0x13910] =	vst @!p0 v5  }
0x30: {  	s18 =	sadd.s32 $0xFFFFFFFF, s16;
	v0 =	vadd.s32 v7, v0;
	v5 =	vshra.s32 @!p0 v6, $0x4;
	v6 =	vand.u32 @!p0 $0xF, v6;
	[tilespmem:$0x13920] =	vst @!p0 v9  }
0x31: {  	p1 =	sne.s32 s18, $0x0;
	v1 =	vadd.s32 v7, v1;
	v9 =	vshra.s32 @!p0 v2, $0x4;
	v5 =	vadd.s32 @!p0 v5, v0;
	[tilespmem:$0x13900] =	vst @!p0 v6  }
.Ltmp0:
0x32: {  	v2 =	vadd.s32 v7, v8;
	v6 =	vshra.s32 @!p0 v3, $0x4;
	v8 =	vadd.s32 @!p0 v9, v1;
	[tilespmem:$0x138C0] =	vst @!p0 v5;
	(pc) =	sbr.rel @!p1 .LBB2_2-.Ltmp0, $4  }
0x33: {  	v4 =	vshra.s32 @!p0 v4, $0x4;
	v3 =	vadd.s32 v7, v10;
	v5 =	vadd.s32 @!p0 v6, v2;
	[tilespmem:$0x138E0] =	vst @!p0 v8  }
0x34: {  	s20 =	simm.s32 @!p0 $0x13900;
	s19 =	simm.s32 @!p0 $0x3;
	v4 =	vadd.s32 @!p0 v4, v3;
	[tilespmem:$0x138F0] =	vst @!p0 v5  }
0x35: {  	s17 =	sadd.s32 $0x30E400, s15;
	s15 =	simm.s32 @!p0 $0x40;
	s16 =	simm.s32 @!p0 $0x13940;
	[tilespmem:$0x138D0] =	vst @!p0 v4  }
0x36: {  	[tilespmem:s16], [sflag:$0x3] =	stream.indirect.gather @!p0 [hbm4b:s17+s15], $0x10, s20, s15, $0xb8;
	[tilespmem:$0x13D40] =	vst v63  }
.LBB2_1:
0x37: {  	s18 =	sadd.s32 $0xFFFFFFFF, s18;
	_ =	swait.ge @!p0 [sflag:s19], $0x400  }
0x38: {  	s21 =	simm.s32 @!p0 $0x138C0;
	p1 =	sne.s32 s18, $0x0;
	[sflag:s19] =	ssyncset.done @!p0 $0x0  }
0x39: {  	s22 =	simm.s32 @!p0 $0x4;
	[sflag:s19] =	ssyncadd.s32 @!p0 $0xFFFFFC00  }
0x3a: {  	[hbm4b:s1+s15] =	stream.indirect.scatter @!p0 [tilespmem:s16], [sflag:$0x4], $0x10, s21, s15, $0xb8;
	[tilespmem:$0x13D40] =	vst v63  }
0x3b: {  	_ =	swait.ge @!p0 [sflag:s22], $0x400  }
0x3c: {  	[sflag:s22] =	ssyncset.done @!p0 $0x0  }
0x3d: {  	[sflag:s22] =	ssyncadd.s32 @!p0 $0xFFFFFC00  }
0x3e: {  	[tilespmem:s2], [sflag:$0x1] =	stream.linear.gather [hbm4b:s3+s2], $0x13880, $0x38;
	[tilespmem:$0x13D40] =	vst v63  }
0x3f: {  	_ =	swait.ge [sflag:s4], $0x13880  }
0x40: {  	[sflag:s4] =	ssyncset.done $0x0  }
0x41: {  	[sflag:s4] =	ssyncadd.s32 $0xFFFEC780  }
0x42: {  	[hbm4b:s5+s2] =	stream.linear.scatter [tilespmem:s2], [sflag:$0x2], $0x13880, $0x38;
	[tilespmem:$0x13D40] =	vst v63  }
0x43: {  	_ = 	snop  }
0x44: {  	[hbm4b:s6+s2] =	stream.linear.scatter [tilespmem:s2], [sflag:$0x2], $0x13880, $0x38;
	[tilespmem:$0x13D40] =	vst v63  }
0x45: {  	_ = 	snop  }
0x46: {  	[hbm4b:s7+s2] =	stream.linear.scatter [tilespmem:s2], [sflag:$0x2], $0x13880, $0x38;
	[tilespmem:$0x13D40] =	vst v63  }
0x47: {  	_ = 	snop  }
0x48: {  	[hbm4b:s8+s2] =	stream.linear.scatter [tilespmem:s2], [sflag:$0x2], $0x13880, $0x38;
	[tilespmem:$0x13D40] =	vst v63  }
0x49: {  	_ = 	snop  }
0x4a: {  	[hbm4b:s9+s2] =	stream.linear.scatter [tilespmem:s2], [sflag:$0x2], $0x13880, $0x38;
	[tilespmem:$0x13D40] =	vst v63  }
0x4b: {  	_ =	swait.ge [sflag:s10], $0x13880  }
0x4c: {  	[sflag:s10] =	ssyncset.done $0x0  }
0x4d: {  	[sflag:s10] =	ssyncadd.s32 $0xFFFEC780  }
0x4e: {  	_ =	swait.ge [sflag:s10], $0x13880  }
0x4f: {  	[sflag:s10] =	ssyncset.done $0x0  }
0x50: {  	[sflag:s10] =	ssyncadd.s32 $0xFFFEC780  }
0x51: {  	_ =	swait.ge [sflag:s10], $0x13880  }
0x52: {  	[sflag:s10] =	ssyncset.done $0x0  }
0x53: {  	[sflag:s10] =	ssyncadd.s32 $0xFFFEC780  }
0x54: {  	_ =	swait.ge [sflag:s10], $0x13880  }
0x55: {  	[sflag:s10] =	ssyncset.done $0x0  }
0x56: {  	[sflag:s10] =	ssyncadd.s32 $0xFFFEC780  }
0x57: {  	_ =	swait.ge [sflag:s10], $0x13880  }
0x58: {  	[sflag:s10] =	ssyncset.done $0x0  }
0x59: {  	[sflag:s10] =	ssyncadd.s32 $0xFFFEC780  }
0x5a: {  	[bflag:$0x0] =	sbarrier.arrive $0xFFFF  }
0x5b: {  	[tilespmem:s14], [sflag:$0x5] =	stream.linear.gather @!p0 [hbm4b:s11+s13], $0x40, $0x38;
	[tilespmem:$0x13D40] =	vst v63  }
0x5c: {  	_ =	swait.ge @!p0 [sflag:s12], $0x40  }
0x5d: {  	[sflag:s12] =	ssyncset.done @!p0 $0x0  }
0x5e: {  	[sflag:s12] =	ssyncadd.s32 @!p0 $0xFFFFFFC0  }
0x5f: {  	v4 =	vld @!p0 [tilespmem:$0x138B0]  }
0x60: {  	v5 =	vld @!p0 [tilespmem:$0x138A0]  }
0x61: {  	v6 =	vld @!p0 [tilespmem:$0x13890]  }
0x62: {  	v7 =	vld @!p0 [tilespmem:$0x13880];
	_ =	sdelay $0x1  }
0x63: {  	v8 =	vshra.s32 @!p0 v4, $0x4;
	v4 =	vand.u32 @!p0 $0xF, v4  }
0x64: {  	v9 =	vshra.s32 @!p0 v5, $0x4;
	v5 =	vand.u32 @!p0 $0xF, v5;
	v8 =	vadd.s32 @!p0 v8, v2;
	[tilespmem:$0x13930] =	vst @!p0 v4  }
0x65: {  	v4 =	vshra.s32 @!p0 v6, $0x4;
	v6 =	vand.u32 @!p0 $0xF, v6;
	v9 =	vadd.s32 @!p0 v9, v1;
	[tilespmem:$0x13920] =	vst @!p0 v5  }
0x66: {  	v5 =	vshra.s32 @!p0 v7, $0x4;
	v7 =	vand.u32 @!p0 $0xF, v7;
	v4 =	vadd.s32 @!p0 v4, v3;
	[tilespmem:$0x13910] =	vst @!p0 v6  }
0x67: {  	v5 =	vadd.s32 @!p0 v5, v0;
	[tilespmem:$0x13900] =	vst @!p0 v7  }
.Ltmp1:
0x68: {  	[tilespmem:$0x138C0] =	vst @!p0 v5;
	(pc) =	sbr.rel @p1 .LBB2_1-.Ltmp1, $4  }
0x69: {  	[tilespmem:$0x138E0] =	vst @!p0 v9  }
0x6a: {  	[tilespmem:$0x138F0] =	vst @!p0 v8  }
0x6b: {  	[tilespmem:$0x138D0] =	vst @!p0 v4  }
0x6c: {  	[tilespmem:s16], [sflag:$0x3] =	stream.indirect.gather @!p0 [hbm4b:s17+s15], $0x10, s20, s15, $0xb8;
	[tilespmem:$0x13D40] =	vst v63  }
.LBB2_2:
0x6d: {  	_ =	swait.ge @!p0 [sflag:s19], $0x400  }
0x6e: {  	[sflag:s19] =	ssyncset.done @!p0 $0x0  }
0x6f: {  	s2 =	simm.s32 @!p0 $0x138C0;
	s3 =	simm.s32 @!p0 $0x4;
	[sflag:s19] =	ssyncadd.s32 @!p0 $0xFFFFFC00  }
0x70: {  	[hbm4b:s1+s15] =	stream.indirect.scatter @!p0 [tilespmem:s16], [sflag:$0x4], $0x10, s2, s15, $0xb8;
	[tilespmem:$0x13D40] =	vst v63  }
0x71: {  	_ =	swait.ge @!p0 [sflag:s3], $0x400  }
0x72: {  	[sflag:s3] =	ssyncset.done @!p0 $0x0  }
0x73: {  	[sflag:s3] =	ssyncadd.s32 @!p0 $0xFFFFFC00  }
0x74: {  	_ =	sfence.sel $0x180000  }
0x75: {  	[bflag:$0x0] =	sbarrier.arrive $0xFFFF  }
0x76: {  	_ =	strace $0x90000047  }
0x77: {  	s0 =	sadd.s32 @!p0 $0x100000, s0;
	[bflag:$0x2] =	sbarrier.arrive $0xFFFF  }
0x78: {  	[sflag:s0] =	ssyncadd.tile.s32 @!p0 $0x1;
	_ =	shalt  }
.Lfunc_end2:
_tile_overlayer_lowered:
.L_overlay_start_2:
0x79: {  	(tag) =	ssettag $0x2  }
0x7a: {  	s0 =	rddreg [dreg:$0x0];
	s2 =	stileid.u32  }
0x7b: {  	s1 =	rddreg [dreg:$0x1];
	p0 =	sne.s32 s2, $0x0  }
0x7c: {  	s3 =	rddreg [dreg:$0x2];
	[bflag:$0x3] =	sbarrier.arrive $0xFFFF;
	s2 =	simm.s32 @!p0 $0x1C05  }
0x7d: {  	[timem:s3], [sflag:s2] =	dma.local @!p0 [hbm:s0], s1  }
0x7e: {  	s0 =	simm.s32 @!p0 $0x5  }
0x7f: {  	_ =	swait.ge @!p0 [sflag:s0], s1  }
0x80: {  	s1 =	ssub.s32 @!p0 $0x0, s1;
	[sflag:s0] =	ssyncset.done @!p0 $0x0  }
0x81: {  	[sflag:s0] =	ssyncadd.s32 @!p0 s1  }
0x82: {  	[bflag:$0x3] =	sbarrier.arrive $0xFFFF  }
0x83: {  	_ =	shalt  }

// kernel: sparse-core-data-format-call.cloned.1.call-start
scs
called_computation_lowered:
.L_overlay_start_0:
0x0: {  	s2 =	sld [smem:$0x3FD9]  }
0x1: {  	s3 =	sld [smem:$0x3FFE];
	_ =	sdelay $0x1  }
0x2: {  	s1 =	srdreg.scid  }
0x3: {  	s0 =	sand.u32 $0x1, s1  }
0x4: {  	s18 =	sshll.u32 s0, $0xA;
	s2 =	sadd.s32 s3, s2  }
0x5: {  	s2 =	sadd.s32 s2, s18  }
0x6: {  	[smem:$0x3FC6] =	sst s2  }
0x7: {  	_ = 	snop  }
0x8: {  	s2 =	sld [smem:$0x3FD0];
	(tm) =	ssettm $0x1  }
0x9: {  	s19 =	sld [smem:$0x3FFB];
	_ =	sdelay $0x3  }
0xa: {  	_ =	strace s19  }
0xb: {  	s3 =	sld [smem:$0x3FFC];
	_ =	sdelay $0x3  }
0xc: {  	_ =	strace s3  }
0xd: {  	s3 =	sld [smem:$0x3FFD];
	_ =	sdelay $0x3  }
0xe: {  	_ =	strace s3  }
0xf: {  	_ =	strace $0x8FFFFFFF  }
0x10: {  	s20 =	sld [smem:$0x3FDB];
	_ =	sdelay $0x1  }
0x11: {  	s4 =	simm.s32 $_scs_section_size  }
0x12: {  	s5 =	simm.s32 $_size__tile_overlayer_lowered;
	s6 =	simm.s32 $_tile_overlayer_lowered  }
0x13: {  	s23 =	simm.s32 $0x1BFF;
	s22 =	sshll.u32 s6, $0x1;
	s3 =	sadd.s32 s4, s20  }
0x14: {  	s7 =	simm.s32 $0x0;
	s21 =	sshll.u32 s5, $0x1;
	s5 =	sadd.s32 s22, s3  }
0x15: {  	[timem:s7], [sflag:s23] =	dma.local [hbm:s5], s21  }
0x16: {  	_ =	swait.ge [sflag:s23], s21  }
0x17: {  	s4 =	ssub.s32 $0x0, s21;
	[sflag:s23] =	ssyncset.done $0x0  }
0x18: {  	[sflag:s23] =	ssyncadd.s32 s4;
	_ =	sdelay $0x1  }
0x19: {  	s24 =	simm.s32 $0x1B8B  }
0x1a: {  	_ =	swait.ge [sflag:s24], $0x1  }
0x1b: {  	[sflag:s24] =	ssyncset.done $0x0  }
0x1c: {  	s26 =	simm.s32 $0x1B8E;
	s25 =	sld [smem:$0x3FFE];
	[sflag:s24] =	ssyncadd.s32 $0xFFFFFFFF  }
0x1d: {  	s27 =	simm.s32 $execute0_lowered;
	[smem:$0x3FD2] =	sst s26  }
0x1e: {  	s5 =	sshll.u32 s27, $0x1;
	_ =	strace $0x80000049;
	[dreg:$0x1] =	wrdreg $0xFFFFFFFF  }
0x1f: {  	s28 =	simm.s32 $_size_execute0_lowered;
	s3 =	sadd.s32 s3, s5;
	[dreg:$0x0] =	wrdreg $0x0  }
0x20: {  	s5 =	sshll.u32 s28, $0x1;
	[dreg:$0x2] =	wrdreg s3  }
0x21: {  	[dreg:$0x3] =	wrdreg s5  }
0x22: {  	[dreg:$0x4] =	wrdreg $0xC0  }
0x23: {  	_ =	task [dreg:s7], $0x5FFFF  }
0x24: {  	[dreg:$0x1] =	wrdreg $0xFFFFFFFF  }
0x25: {  	[dreg:$0x0] =	wrdreg $0x60  }
0x26: {  	[dreg:$0x2] =	wrdreg s25  }
0x27: {  	[dreg:$0x3] =	wrdreg s2  }
0x28: {  	[dreg:$0x4] =	wrdreg $0x9  }
0x29: {  	_ =	task.clear_ibuf [dreg:s7], $0x5FFFF;
	_ =	strace $0x90000049  }
0x2a: {  	s29 =	simm.s32 $0x9;
	_ =	strace $0x8000004B  }
0x2b: {  	_ =	swait.ge [sflag:s29], $0x1  }
0x2c: {  	[sflag:s29] =	ssyncadd.s32 $0xFFFFFFFF  }
0x2d: {  	_ =	strace $0x9000004B  }
0x2e: {  	_ =	sfence  }
0x2f: {  	s30 =	sld [smem:$0x0];
	_ =	sdelay $0x2  }
0x30: {  	s31 =	sshll.u32 s1, $0xD;
	s1 =	sshrl.u32 s1, $0x2  }
0x31: {  	s3 =	sand.u32 $0x4000, s31;
	s1 =	sadd.s32 s1, s30  }
0x32: {  	s0 =	sor.u32 s3, s0;
	s1 =	sshll.u32 s1, $0x11  }
0x33: {  	s0 =	sor.u32 s1, s0  }
0x34: {  	s0 =	sadd.s32 $0x8F2B, s0  }
0x35: {  	[sflag:s0] =	ssyncadd.remote.s32 $0x1  }
0x36: {  	_ =	sfence.sel $0xFFFF  }
0x37: {  	[dreg:$0x0] =	wrdreg $0xFFFFFFFF;
	(pc) =	sbr.abs _section_cstart, $3  }
0x38: {  	[dreg:$0x1] =	wrdreg $0xFFFFFFFF  }
0x39: {  	_ =	task.clear_ibuf [dreg:s7], $0x2FFFF;
	_ =	strace $0x9FFFFFFF  }
0x3a: {  	(tm) =	ssettm $0x7FFFFFFF  }
0x3b: {  	_ =	shalt  }
tec
execute0_lowered:
.L_overlay_start_1:
0x0: {  	(tag) =	ssettag $0x1  }
0x1: {  	s4 =	rddreg [dreg:$0x0]  }
0x2: {  	s0 =	srdreg.scid;
	s2 =	rddreg [dreg:$0x1]  }
0x3: {  	s1 =	stileid.u32;
	s5 =	simm.s32 $0x1;
	s7 =	simm.s32 $0x2  }
0x4: {  	s14 =	simm.s32 $0x0;
	p0 =	por $0x0, $0x0;
	s0 =	sshll.u32 s0, $0x4  }
0x5: {  	s13 =	simm.s32 $0x0;
	s8 =	simm.s32 $0x0;
	s3 =	sand.u32 $0x10, s0  }
.Ltmp0:
0x6: {  	s9 =	simm.s32 $0x0;
	s3 =	sor.u32 s1, s3;
	(pc) =	sbr.rel .LBB1_1-.Ltmp0, $4  }
0x7: {  	s11 =	simm.s32 $0x0;
	s12 =	simm.s32 $0x0;
	s3 =	sshll.u32 s3, $0x7  }
0x8: {  	s0 =	rddreg [dreg:$0x2];
	_ =	strace $0x8000004A;
	s6 =	ssub.s32 $0x18680, s3  }
0x9: {  	s4 =	sadd.s32 $0x400, s4;
	[sflag:s5] =	ssyncpa.u1 $0x0;
	s6 =	sshrl.u32 s6, $0xC  }
0xa: {  	[sflag:s7] =	ssyncpa.u1 $0x0;
	s10 =	smov.u32 s3;
	s7 =	sadd.s32 $0x2, s6  }
.LBB1_5:
0xb: {  	p1 =	slt.u32 s12, $0x2  }
0xc: {  	p2 =	sgt.s32 @!p1 s14, $0x18620  }
0xd: {  	s15 =	smov.u32 s14;
	s16 =	sshra.s32 @!p1 s14, $0x1F;
	p2 =	por !p2, p1  }
0xe: {  	s14 =	sand.u32 @!p1 s16, s14;
	s15 =	simm.s32 @p2 $0x18620  }
0xf: {  	s14 =	ssub.s32 @!p1 s15, s14;
	s15 =	ssub.s32 @!p1 $0x0, s13  }
0x10: {  	s17 =	smov.u32 s11;
	s16 =	sadd.s32 @!p1 $0xFFFE79E0, s14;
	s13 =	smin.u32 @!p1 s13, s15  }
0x11: {  	s14 =	ssub.s32 @!p1 $0x186A0, s14;
	p2 =	sgt.s32 @!p1 s16, $0x7F;
	p3 =	sgt.s32 @!p1 s13, $0x7F  }
0x12: {  	s13 =	ssub.s32 @!p1 $0x80, s13;
	p2 =	por !p2, p1;
	p3 =	por !p3, p1  }
0x13: {  	s15 =	sadd.s32 $0x1000, s10;
	s14 =	simm.s32 @!p2 $0x0;
	s13 =	simm.s32 @!p3 $0x0  }
0x14: {  	p2 =	sgt.s32 s15, $0x1869F;
	s13 =	smul.u32 @!p1 s13, s14;
	s14 =	sadd.s32 $0x80, s11  }
0x15: {  	s17 =	smov.u32 @p2 s14  }
0x16: {  	s15 =	smov.u32 @p2 s3;
	p2 =	sgt.s32 s17, $0x7F  }
0x17: {  	s17 =	simm.s32 @p2 $0x0;
	p2 =	sne.s32 s12, s7  }
.Ltmp1:
0x18: {  	p0 =	por !p0, !p0;
	s16 =	simm.s32 @!p1 $0x2;
	(pc) =	sbr.rel @!p2 .LBB1_6-.Ltmp1, $4  }
0x19: {  	s14 =	smov.u32 s8;
	s8 =	smov.u32 s10;
	s13 =	sand.u32 @!p1 $0x3FFFFFFF, s13  }
0x1a: {  	s10 =	smov.u32 s15;
	_ =	swait.ge @!p1 [sflag:s16], s13;
	s18 =	ssub.s32 @!p1 $0x0, s13  }
0x1b: {  	s13 =	smov.u32 s9;
	s12 =	sadd.s32 $0x1, s12;
	[sflag:s16] =	ssyncset.done @!p1 $0x0  }
0x1c: {  	s9 =	smov.u32 s11;
	s11 =	smov.u32 s17;
	[sflag:s16] =	ssyncadd.s32 @!p1 s18  }
.LBB1_1:
0x1d: {  	p1 =	sgt.u32 s12, s6  }
0x1e: {  	s15 =	sshrl.u32 @!p1 s11, $0x3  }
0x1f: {  	s16 =	sshll.u32 @!p1 s10, $0x3;
	s15 =	smul.u32 @!p1 $0xC3800, s15  }
0x20: {  	s17 =	sshll.u32 @!p1 s11, $0x7;
	s16 =	sand.u32 @!p1 $0xFFFFFC00, s16  }
0x21: {  	s15 =	sadd.s32 @!p1 s15, s16;
	s16 =	sand.u32 @!p1 $0x380, s17  }
0x22: {  	s17 =	sand.u32 @!p1 $0x7F, s10;
	s15 =	sor.u32 @!p1 s16, s15  }
0x23: {  	s16 =	sor.u32 @!p1 s17, s15  }
0x24: {  	s17 =	smulhi.u32 @!p1 $0xA79C7B17, s16;
	_ =	sdelay $0x1  }
0x25: {  	s15 =	smulhi.u32 @!p1 $0xA79C7B17, s15;
	s17 =	sshrl.u32 @!p1 s17, $0x10  }
0x26: {  	s17 =	smul.u32 @!p1 $0x18700, s17  }
0x27: {  	s18 =	sxor.u32 @!p1 $0xFFFFFFFF, s12;
	s15 =	sshrl.u32 @!p1 s15, $0x10  }
0x28: {  	s18 =	sshll.u32 @!p1 s18, $0xE;
	s15 =	sand.u32 @!p1 $0x7F, s15;
	s16 =	ssub.s32 @!p1 s16, s17  }
0x29: {  	s15 =	smul.u32 @!p1 $0x30E0, s15;
	s17 =	sshrl.u32 @!p1 s16, $0x3;
	s16 =	sand.u32 @!p1 $0x7, s16  }
0x2a: {  	s18 =	sand.u32 @!p1 $0x4000, s18;
	s17 =	sadd.s32 @!p1 s4, s17;
	s16 =	sshll.u32 @!p1 s16, $0x12  }
0x2b: {  	s15 =	sadd.s32 @!p1 s15, s17;
	s16 =	sor.u32 @!p1 $0x400, s16;
	s17 =	simm.s32 @!p1 $0xC3800  }
0x2c: {  	[tilespmem:s18], [sflag:$0x1] =	stream.strided.gather @!p1 [hbm4b:s15+s16], $0x4000, s17, s16, $0x38;
	[tilespmem:$0x10100] =	vst v63  }
0x2d: {  	p1 =	seq.s32 s12, $0x0  }
0x2e: {  	p2 =	sge.u32 @!p1 s12, s7  }
0x2f: {  	p1 =	por p1, p2  }
.Ltmp2:
0x30: {  	_ = 	snop;
	(pc) =	sbr.rel @p1 .LBB1_5-.Ltmp2, $1  }
0x31: {  	_ =	sdelay $0x3  }
0x32: {  	s15 =	simm.s32 $0x1  }
0x33: {  	_ =	swait.ge [sflag:s5], $0x4000;
	s15 =	simm.s32 @!p0 $0x0  }
0x34: {  	[sflag:s5] =	ssyncset.done $0x0;
	s16 =	sshll.u32 s15, $0xE  }
0x35: {  	[sflag:s5] =	ssyncadd.s32 $0xFFFFC000;
	s16 =	sor.u32 $0x40, s16  }
0x36: {  	s15 =	smul.u32 $0x10200, s15;
	v0 =	vld [tilespmem:s16+$0x30]  }
0x37: {  	v1 =	vld [tilespmem:s16+$0xFFFFFFD0]  }
0x38: {  	s15 =	sshrl.u32 s15, $0x2;
	v5 =	vld [tilespmem:s16+$0xFFFFFFE0]  }
0x39: {  	v6 =	vld [tilespmem:s16+$0xFFFFFFF0];
	s18 =	sor.u32 $0x8000, s15  }
0x3a: {  	s31 =	sand.u32 $0x1, s12;
	v4 =	vld [tilespmem:s16+$0x0];
	s17 =	sadd.s32 $0x0, s18  }
0x3b: {  	v3 =	vld [tilespmem:s16+$0x10];
	s15 =	smul.u32 $0x10200, s31;
	[tilespmem:s17+$0x3870 ss:$0x81] =	vst.msk $0xffff, v0  }
0x3c: {  	v2 =	vld [tilespmem:s16+$0x20];
	[tilespmem:s17+$0x810 ss:$0x81] =	vst.msk $0xffff, v1  }
0x3d: {  	s15 =	sshrl.u32 s15, $0x2;
	v0 =	vld [tilespmem:s16+$0xFFFFFFC0];
	[tilespmem:s17+$0x1020 ss:$0x81] =	vst.msk $0xffff, v5;
	s16 =	sadd.s32 $0x80, s16  }
0x3e: {  	s19 =	simm.s32 $0x4;
	s20 =	simm.s32 $0x8;
	s15 =	sor.u32 $0x8000, s15;
	[tilespmem:s17+$0x1830 ss:$0x81] =	vst.msk $0xffff, v6;
	v1 =	vld [tilespmem:s16+$0x30]  }
.LBB1_3:
0x3f: {  	p1 =	sne.s32 s20, $0x1FC;
	v5 =	vld [tilespmem:s16+$0xFFFFFFD0];
	[tilespmem:s17+$0x2040 ss:$0x81] =	vst.msk $0xffff, v4  }
0x40: {  	v6 =	vld [tilespmem:s16+$0xFFFFFFE0];
	[tilespmem:s17+$0x2850 ss:$0x81] =	vst.msk $0xffff, v3  }
0x41: {  	s21 =	sshra.s32 s19, $0x2;
	s19 =	smov.u32 s20;
	v7 =	vld [tilespmem:s16+$0xFFFFFFF0];
	[tilespmem:s17+$0x3060 ss:$0x81] =	vst.msk $0xffff, v2  }
.Ltmp3:
0x42: {  	v4 =	vld [tilespmem:s16+$0x0];
	[tilespmem:s17+$0x0 ss:$0x81] =	vst.msk $0xffff, v0;
	s17 =	sadd.s32 s21, s18;
	(pc) =	sbr.rel @p1 .LBB1_3-.Ltmp3, $4  }
0x43: {  	v3 =	vld [tilespmem:s16+$0x10];
	[tilespmem:s17+$0x3870 ss:$0x81] =	vst.msk $0xffff, v1  }
0x44: {  	[tilespmem:s17+$0x810 ss:$0x81] =	vst.msk $0xffff, v5;
	v2 =	vld [tilespmem:s16+$0x20]  }
0x45: {  	v0 =	vld [tilespmem:s16+$0xFFFFFFC0];
	[tilespmem:s17+$0x1020 ss:$0x81] =	vst.msk $0xffff, v6;
	s16 =	sadd.s32 $0x80, s16  }
0x46: {  	s20 =	sadd.s32 $0x4, s20;
	v1 =	vld [tilespmem:s16+$0x30];
	[tilespmem:s17+$0x1830 ss:$0x81] =	vst.msk $0xffff, v7  }
0x47: {  	s20 =	sshll.u32 s8, $0x7;
	s21 =	sshll.u32 s9, $0x3;
	s19 =	sshra.s32 s19, $0x2  }
0x48: {  	v5 =	vld [tilespmem:s16+$0xFFFFFFD0];
	[tilespmem:s17+$0x2040 ss:$0x81] =	vst.msk $0xffff, v4;
	p1 =	sgt.s32 s8, $0x18620;
	s22 =	sand.u32 $0xFFFFFC00, s20;
	s21 =	sand.u32 $0xFFFFFC00, s21  }
0x49: {  	v58 =	vld [tilespmem:s16+$0xFFFFFFE0];
	s24 =	sshra.s32 s8, $0x1F;
	s20 =	sand.u32 $0x380, s20;
	[tilespmem:s17+$0x2850 ss:$0x81] =	vst.msk $0xffff, v3;
	s21 =	sadd.s32 s21, s22  }
0x4a: {  	v59 =	vld [tilespmem:s16+$0xFFFFFFF0];
	s26 =	ssub.s32 $0x0, s9;
	s18 =	sadd.s32 s19, s18;
	[tilespmem:s17+$0x3060 ss:$0x81] =	vst.msk $0xffff, v2;
	s23 =	sor.u32 s20, s21  }
0x4b: {  	v60 =	vld [tilespmem:s16+$0x0];
	s28 =	smin.u32 s9, s26;
	s20 =	smov.u32 s8;
	[tilespmem:s17+$0x0 ss:$0x81] =	vst.msk $0xffff, v0;
	s19 =	sshrl.u32 s23, $0x7  }
0x4c: {  	v61 =	vld [tilespmem:s16+$0x10];
	s21 =	sand.u32 s24, s8;
	s20 =	simm.s32 @!p1 $0x18620;
	[tilespmem:s18+$0x3870 ss:$0x81] =	vst.msk $0xffff, v1;
	s25 =	smulhi.u32 $0x14F8B59, s19  }
0x4d: {  	v62 =	vld [tilespmem:s16+$0x20];
	s29 =	sshrl.u32 s9, $0x3;
	p2 =	sgt.s32 s28, $0x7F;
	s20 =	ssub.s32 s20, s21;
	[tilespmem:s18+$0x810 ss:$0x81] =	vst.msk $0xffff, v5  }
0x4e: {  	v63 =	vld [tilespmem:s16+$0xFFFFFFC0];
	[tilespmem:s18+$0x1020 ss:$0x81] =	vst.msk $0xffff, v58;
	s21 =	sadd.s32 $0xFFFE79E0, s20;
	s20 =	ssub.s32 $0x186A0, s20;
	s17 =	sshrl.u32 s25, $0x9  }
0x4f: {  	[tilespmem:s18+$0x1830 ss:$0x81] =	vst.msk $0xffff, v59;
	p1 =	sgt.s32 s21, $0x7F;
	s27 =	smul.u32 $0x186A0, s17;
	s17 =	ssub.s32 $0x80, s28  }
.Ltmp4:
0x50: {  	[tilespmem:s18+$0x2040 ss:$0x81] =	vst.msk $0xffff, v60;
	s20 =	simm.s32 @p1 $0x0;
	s17 =	simm.s32 @p2 $0x0;
	(pc) =	sbr.rel .LBB1_5-.Ltmp4, $4  }
0x51: {  	s30 =	sand.u32 $0xF, s29;
	[tilespmem:s18+$0x2850 ss:$0x81] =	vst.msk $0xffff, v61;
	s16 =	ssub.s32 s19, s27;
	s17 =	smul.u32 s17, s20  }
0x52: {  	[tilespmem:s18+$0x3060 ss:$0x81] =	vst.msk $0xffff, v62;
	s19 =	sadd.s32 s2, s30;
	s16 =	sshll.u32 s16, $0x4  }
0x53: {  	s31 =	sand.u32 $0x7, s9;
	[tilespmem:s18+$0x0 ss:$0x81] =	vst.msk $0xffff, v63;
	s17 =	sand.u32 $0x3FFFFFFF, s17;
	s16 =	sadd.s32 s16, s19  }
0x54: {  	[hbm4b:s16+s31] =	stream.linear.scatter [tilespmem:s15], [sflag:$0x2], s17, $0x20;
	[tilespmem:$0x10100] =	vst v63  }
.LBB1_6:
0x55: {  	_ =	sfence.sel $0x180000  }
0x56: {  	s2 =	simm.s32 $0x1;
	[bflag:$0x0] =	sbarrier.arrive $0xFFFF  }
0x57: {  	s31 =	simm.s32 $0x2;
	[sflag:s2] =	ssyncpa.u1 $0x1  }
0x58: {  	[sflag:s31] =	ssyncpa.u1 $0x1  }
0x59: {  	p0 =	sne.s32 s1, $0x0;
	_ =	strace $0x9000004A  }
0x5a: {  	s0 =	sadd.s32 @!p0 $0x100000, s0;
	[bflag:$0x2] =	sbarrier.arrive $0xFFFF  }
0x5b: {  	[sflag:s0] =	ssyncadd.tile.s32 @!p0 $0x1;
	_ =	shalt  }
.Lfunc_end1:
_tile_overlayer_lowered:
.L_overlay_start_2:
0x5c: {  	(tag) =	ssettag $0x2  }
0x5d: {  	s0 =	rddreg [dreg:$0x0];
	s2 =	stileid.u32  }
0x5e: {  	s1 =	rddreg [dreg:$0x1];
	p0 =	sne.s32 s2, $0x0  }
0x5f: {  	s3 =	rddreg [dreg:$0x2];
	[bflag:$0x3] =	sbarrier.arrive $0xFFFF;
	s2 =	simm.s32 @!p0 $0x1C01  }
0x60: {  	[timem:s3], [sflag:s2] =	dma.local @!p0 [hbm:s0], s1  }
0x61: {  	s0 =	simm.s32 @!p0 $0x1  }
0x62: {  	_ =	swait.ge @!p0 [sflag:s0], s1  }
0x63: {  	s1 =	ssub.s32 @!p0 $0x0, s1;
	[sflag:s0] =	ssyncset.done @!p0 $0x0  }
0x64: {  	[sflag:s0] =	ssyncadd.s32 @!p0 s1  }
0x65: {  	[bflag:$0x3] =	sbarrier.arrive $0xFFFF  }
0x66: {  	_ =	shalt  }

</sc_bundles>
